<compile_context>
chip_gen: v7x
topology: tpu7x:2x2x1
jax: 0.10.2.dev20260603
libtpu: 0.0.44.dev20260713+nightly
codegen_flags: <defaults>
</compile_context>

<pallas_src>
import functools

import jax
import jax.numpy as jnp
import numpy as np
from jax import lax
from jax.experimental import pallas as pl
from jax.experimental.pallas import tpu as pltpu
from jax.experimental.pallas import tpu_sc as plsc

RATIO = 25
NUM_PATCHES_PER_AX = 14
NUM_PATCHES = NUM_PATCHES_PER_AX ** 2
NUM_CHANNELS = 10

T_TOTAL = NUM_PATCHES * NUM_CHANNELS
BATCH = 64
CHANS = 768
REMAIN_T = NUM_PATCHES * RATIO // 100

NUM_CORES = 2
NUM_SUBCORES = 16
NW = NUM_CORES * NUM_SUBCORES
ROWS = REMAIN_T * BATCH
ROWS_PER_W = 104


def _shuffle_indices(rng):
    idx_to_take = np.arange(0, NUM_PATCHES * NUM_CHANNELS, NUM_CHANNELS) + rng.choice(
        [0, 1, 2, 6], NUM_PATCHES)
    rest = np.delete(np.arange(NUM_PATCHES * NUM_CHANNELS), idx_to_take)
    rng.shuffle(rest)
    fwd = np.concatenate([idx_to_take, rest])
    bwd = np.argsort(fwd)
    return fwd, bwd


@functools.lru_cache(maxsize=1)
def _constant_indices():
    rng = np.random.default_rng(0)
    idxs = [_shuffle_indices(rng) for _ in range(BATCH)]
    fwd = np.stack([i[0] for i in idxs], axis=-1).astype(np.int32)
    bwd = np.stack([i[1] for i in idxs], axis=-1).astype(np.int32)
    g = (fwd[:REMAIN_T] * BATCH + np.arange(BATCH, dtype=np.int32)[None, :]).reshape(-1)
    return fwd.reshape(-1), bwd.reshape(-1), g


_mesh = plsc.VectorSubcoreMesh(
    core_axis_name="c", subcore_axis_name="s",
    num_cores=NUM_CORES, num_subcores=NUM_SUBCORES)


@functools.partial(
    pl.kernel,
    out_type=jax.ShapeDtypeStruct((ROWS, CHANS), jnp.float32),
    mesh=_mesh,
    scratch_types=[
        pltpu.VMEM((ROWS_PER_W,), jnp.int32),
        pltpu.VMEM((ROWS_PER_W, CHANS), jnp.float32),
        pltpu.SemaphoreType.DMA,
    ],
)
def _sc_gather(table_hbm, idx_hbm, out_hbm, idx_v, rows_v, sem):
    wid = lax.axis_index("s") * NUM_CORES + lax.axis_index("c")
    base = lax.min(96 * wid + 8 * lax.min(wid, 8), ROWS - ROWS_PER_W)
    pltpu.sync_copy(idx_hbm.at[pl.ds(base, ROWS_PER_W)], idx_v)
    pltpu.async_copy(table_hbm.at[idx_v], rows_v, sem).wait()
    pltpu.sync_copy(rows_v, out_hbm.at[pl.ds(base, ROWS_PER_W)])


def _tc_passthrough(fwd_ref, bwd_ref, fwd_out, bwd_out):
    fwd_out[...] = fwd_ref[...]
    bwd_out[...] = bwd_ref[...]


def _emit_index_outputs(fwd, bwd):
    return pl.pallas_call(
        _tc_passthrough,
        out_shape=(
            jax.ShapeDtypeStruct((T_TOTAL, BATCH), jnp.int32),
            jax.ShapeDtypeStruct((T_TOTAL, BATCH), jnp.int32),
        ),
    )(fwd, bwd)


def kernel(patches):
    fwd, bwd, g = _constant_indices()
    table = patches.reshape(T_TOTAL * BATCH, CHANS)
    out = _sc_gather(table, jnp.asarray(g))
    fwd_o, bwd_o = _emit_index_outputs(
        jnp.asarray(fwd).reshape(T_TOTAL, BATCH),
        jnp.asarray(bwd).reshape(T_TOTAL, BATCH))
    return (out.reshape(REMAIN_T, BATCH, CHANS), fwd_o, bwd_o)

# --- scband reference (transcript-rebuilt; emitter-appended) ---
"""Pipeline reference for scband-channel-patch-shuffle-18622978196026 (READ-ONLY COPY).

The authoritative reference and input builder live on the scoring server;
editing this copy changes nothing except your own understanding.
"""

import jax, jax.numpy as jnp
import numpy as np

RATIO = 25
NUM_PATCHES_PER_AX = 14
NUM_PATCHES = NUM_PATCHES_PER_AX ** 2
NUM_CHANNELS = 10


def _custom_random_indices(rng):
    # keep_one_of_the_ten_meter_channels=True -> pick one of the 10m S2 bands [0,1,2,6] per patch
    idx_to_take = np.arange(0, NUM_PATCHES * NUM_CHANNELS, NUM_CHANNELS) + rng.choice([0, 1, 2, 6], NUM_PATCHES)
    rest = np.delete(np.arange(NUM_PATCHES * NUM_CHANNELS), idx_to_take)
    rng.shuffle(rest)
    forward_indexes = np.concatenate([idx_to_take, rest])
    backward_indexes = np.argsort(forward_indexes)
    return forward_indexes, backward_indexes


def setup_inputs(seed: int = 0) -> dict:
    key = jax.random.key(seed)
    patches = jax.random.normal(key, (1960, 64, 768), dtype=jnp.float32)
    return {"patches": patches}


def reference(patches):
    iT, iB, iC = patches.shape
    rng = np.random.default_rng(0)
    idxs = [_custom_random_indices(rng) for _ in range(iB)]
    forward_indexes = jnp.asarray(np.stack([i[0] for i in idxs], axis=-1), dtype=jnp.int32)
    backward_indexes = jnp.asarray(np.stack([i[1] for i in idxs], axis=-1), dtype=jnp.int32)
    # take_indexes: gather along token dim 0 with per-(t,b) indices, broadcast over channel dim
    gathered = jnp.take_along_axis(patches, forward_indexes[:, :, None], axis=0)
    T = NUM_PATCHES  # keep_one_channel_per_patch=True
    remain_T = int(T * RATIO // 100)
    out = gathered[:remain_T]
    return (out, forward_indexes, backward_indexes)

if __name__ == "__main__":
    import jax
    _d = setup_inputs()
    print(jax.jit(kernel)(*tuple(_d.values())))

</pallas_src>

<mosaic_0001>
#map = affine_map<(d0, d1) -> (0, 0)>
#map1 = affine_map<(d0, d1) -> (0)>
module attributes {stable_mosaic.version = 14 : i64} {
  func.func @_sc_gather(%arg0: i32, %arg1: i32, %arg2: memref<125440x768xf32, #tpu.memory_space<hbm>>, %arg3: memref<3136xi32, #tpu.memory_space<hbm>>, %arg4: memref<3136x768xf32, #tpu.memory_space<hbm>>, %arg5: memref<104xi32, #tpu.memory_space<vmem>>, %arg6: memref<104x768xf32, #tpu.memory_space<vmem>>, %arg7: memref<!tpu.dma_semaphore, #tpu.memory_space<semaphore_mem>>) attributes {dimension_semantics = [#tpu.dimension_semantics<core_parallel>, #tpu.dimension_semantics<subcore_parallel>], iteration_bounds = array<i64: 2, 16>, scalar_prefetch = 0 : i64, scratch_operands = 3 : i64, tpu.core_type = #tpu.core_type<sc_vector_subcore>, window_params = [{transform_indices = #map}, {transform_indices = #map1}, {transform_indices = #map}]} {
    %mul3A = arith.constant 2 : i32
    %mul3A_0 = arith.muli %arg1, %mul3A : i32
    %add3A = arith.addi %mul3A_0, %arg0 : i32
    %mul3A_1 = arith.constant 96 : i32
    %mul3A_2 = arith.muli %mul3A_1, %add3A : i32
    %min3A = arith.constant 8 : i32
    %min3A_3 = arith.minsi %add3A, %min3A : i32
    %mul3A_4 = arith.constant 8 : i32
    %mul3A_5 = arith.muli %mul3A_4, %min3A_3 : i32
    %add3A_6 = arith.addi %mul3A_2, %mul3A_5 : i32
    %min3A_7 = arith.constant 3032 : i32
    %min3A_8 = arith.minsi %add3A_6, %min3A_7 : i32
    "tpu.region"() ({
      %run_scoped3A = tpu.sem_alloc : memref<!tpu.dma_semaphore, #tpu.memory_space<semaphore_mem>>
      %dma_start3A_13 = tpu.memref_slice %arg3[%min3A_8] : memref<3136xi32, #tpu.memory_space<hbm>> -> memref<104xi32, #tpu.memory_space<hbm>>
      %dma_start3A_14 = tpu.memref_slice %arg3[%min3A_8] : memref<3136xi32, #tpu.memory_space<hbm>> -> memref<104xi32, #tpu.memory_space<hbm>>
      tpu.enqueue_dma source(%dma_start3A_14 : memref<104xi32, #tpu.memory_space<hbm>>) target(%arg5 : memref<104xi32, #tpu.memory_space<vmem>>) target_semaphore(%run_scoped3A : memref<!tpu.dma_semaphore, #tpu.memory_space<semaphore_mem>>)
      %dma_wait3A_15 = tpu.memref_slice %arg3[%min3A_8] : memref<3136xi32, #tpu.memory_space<hbm>> -> memref<104xi32, #tpu.memory_space<hbm>>
      %dma_wait3A_16 = tpu.memref_slice %arg3[%min3A_8] : memref<3136xi32, #tpu.memory_space<hbm>> -> memref<104xi32, #tpu.memory_space<hbm>>
      tpu.wait_dma2 semaphore(%run_scoped3A : memref<!tpu.dma_semaphore, #tpu.memory_space<semaphore_mem>>) src(%dma_wait3A_16 : memref<104xi32, #tpu.memory_space<hbm>>) dst(%arg5 : memref<104xi32, #tpu.memory_space<vmem>>)
      tpu.yield
    }) : () -> ()
    %dma_start3A = arith.constant 0 : i32
    %dma_start3A_9 = arith.constant 0 : i32
    %dma_start3A_10 = tpu.memref_slice %arg2[%dma_start3A, %dma_start3A_9] : memref<125440x768xf32, #tpu.memory_space<hbm>> -> memref<125440x768xf32, #tpu.memory_space<hbm>>
    tpu.enqueue_indirect_dma source(%dma_start3A_10 : memref<125440x768xf32, #tpu.memory_space<hbm>>) target(%arg6 : memref<104x768xf32, #tpu.memory_space<vmem>>) offsets(%arg5 : memref<104xi32, #tpu.memory_space<vmem>>) semaphore(%arg7 : memref<!tpu.dma_semaphore, #tpu.memory_space<semaphore_mem>>)
    %dma_wait3A = arith.constant 0 : i32
    %dma_wait3A_11 = arith.constant 0 : i32
    %dma_wait3A_12 = tpu.memref_slice %arg2[%dma_wait3A, %dma_wait3A_11] : memref<125440x768xf32, #tpu.memory_space<hbm>> -> memref<125440x768xf32, #tpu.memory_space<hbm>>
    tpu.wait_indirect_dma semaphore(%arg7 : memref<!tpu.dma_semaphore, #tpu.memory_space<semaphore_mem>>) src(%dma_wait3A_12 : memref<125440x768xf32, #tpu.memory_space<hbm>>) dst(%arg6 : memref<104x768xf32, #tpu.memory_space<vmem>>)
    "tpu.region"() ({
      %run_scoped3A = tpu.sem_alloc : memref<!tpu.dma_semaphore, #tpu.memory_space<semaphore_mem>>
      %dma_start3A_13 = arith.constant 0 : i32
      %dma_start3A_14 = tpu.memref_slice %arg4[%min3A_8, %dma_start3A_13] : memref<3136x768xf32, #tpu.memory_space<hbm>> -> memref<104x768xf32, #tpu.memory_space<hbm>>
      %dma_start3A_15 = arith.constant 0 : i32
      %dma_start3A_16 = tpu.memref_slice %arg4[%min3A_8, %dma_start3A_15] : memref<3136x768xf32, #tpu.memory_space<hbm>> -> memref<104x768xf32, #tpu.memory_space<hbm>>
      tpu.enqueue_dma source(%arg6 : memref<104x768xf32, #tpu.memory_space<vmem>>) target(%dma_start3A_16 : memref<104x768xf32, #tpu.memory_space<hbm>>) target_semaphore(%run_scoped3A : memref<!tpu.dma_semaphore, #tpu.memory_space<semaphore_mem>>)
      %dma_wait3A_17 = arith.constant 0 : i32
      %dma_wait3A_18 = tpu.memref_slice %arg4[%min3A_8, %dma_wait3A_17] : memref<3136x768xf32, #tpu.memory_space<hbm>> -> memref<104x768xf32, #tpu.memory_space<hbm>>
      %dma_wait3A_19 = arith.constant 0 : i32
      %dma_wait3A_20 = tpu.memref_slice %arg4[%min3A_8, %dma_wait3A_19] : memref<3136x768xf32, #tpu.memory_space<hbm>> -> memref<104x768xf32, #tpu.memory_space<hbm>>
      tpu.wait_dma2 semaphore(%run_scoped3A : memref<!tpu.dma_semaphore, #tpu.memory_space<semaphore_mem>>) src(%arg6 : memref<104x768xf32, #tpu.memory_space<vmem>>) dst(%dma_wait3A_20 : memref<104x768xf32, #tpu.memory_space<hbm>>)
      tpu.yield
    }) : () -> ()
    return
  }
}

module attributes {stable_mosaic.version = 14 : i64} {
  func.func @_tc_passthrough(%arg0: memref<1960x64xi32, #tpu.memory_space<vmem>>, %arg1: memref<1960x64xi32, #tpu.memory_space<vmem>>, %arg2: memref<1960x64xi32, #tpu.memory_space<vmem>>, %arg3: memref<1960x64xi32, #tpu.memory_space<vmem>>) attributes {dimension_semantics = [], scalar_prefetch = 0 : i64, scratch_operands = 0 : i64, tpu.core_type = #tpu.core_type<tc>} {
    %get3A = arith.constant 0 : index
    %get3A_0 = arith.constant 0 : index
    %get3A_1 = vector.load %arg0[%get3A, %get3A_0] : memref<1960x64xi32, #tpu.memory_space<vmem>>, vector<1960x64xi32>
    %swap3A = arith.constant 0 : index
    %swap3A_2 = arith.constant 0 : index
    %swap3A_3 = vector.load %arg2[%swap3A, %swap3A_2] : memref<1960x64xi32, #tpu.memory_space<vmem>>, vector<1960x64xi32>
    tpu.vector_store %arg2[%swap3A, %swap3A_2], %get3A_1 {strides = array<i32>} : memref<1960x64xi32, #tpu.memory_space<vmem>>, vector<1960x64xi32>,
    %get3A_4 = arith.constant 0 : index
    %get3A_5 = arith.constant 0 : index
    %get3A_6 = vector.load %arg1[%get3A_4, %get3A_5] : memref<1960x64xi32, #tpu.memory_space<vmem>>, vector<1960x64xi32>
    %swap3A_7 = arith.constant 0 : index
    %swap3A_8 = arith.constant 0 : index
    %swap3A_9 = vector.load %arg3[%swap3A_7, %swap3A_8] : memref<1960x64xi32, #tpu.memory_space<vmem>>, vector<1960x64xi32>
    tpu.vector_store %arg3[%swap3A_7, %swap3A_8], %get3A_6 {strides = array<i32>} : memref<1960x64xi32, #tpu.memory_space<vmem>>, vector<1960x64xi32>,
    return
  }
}

</mosaic_0001>

<sc_bundles>
// kernel: kernel.4.cloned.1.call-start
scs
__scs_entry_jumppad:
0x0: {  	(pc) =	sbr.rel $0x88, $3  }
0x1: {  	(tag) =	ssettag $0x0;
	lr =	simm.s32 $0x1  }
0x2: {  	[smem:$0x3FA0] =	sst lr;
	_ =	strace $0xD0000000  }
0x3: {  	_ = 	snop  }
0x4: {  	_ = 	snop  }
0x5: {  	_ = 	snop  }
0x6: {  	_ = 	snop  }
0x7: {  	_ = 	snop  }
__scs_overlays_trampoline_lowered:
0x8: {  	[smem:$0x3FAF] =	sst s0  }
0x9: {  	[smem:$0x3FB0] =	sst s1  }
0xa: {  	[smem:$0x3FB1] =	sst s2  }
0xb: {  	[smem:$0x3FB2] =	sst s3  }
0xc: {  	[smem:$0x3FB3] =	sst s4  }
0xd: {  	[smem:$0x3FB4] =	sst s5  }
0xe: {  	[smem:$0x3FB5] =	sst s6  }
0xf: {  	[smem:$0x3FB6] =	sst s7  }
0x10: {  	[smem:$0x3FB7] =	sst s8  }
0x11: {  	[smem:$0x3FB8] =	sst s9;
	s0 =	simm.s32 @!p0 $0x0  }
0x12: {  	s1 =	sld [smem:$0x3F9E];
	s0 =	simm.s32 @p0 $0x1  }
0x13: {  	[smem:$0x3FB9] =	sst s0;
	s0 =	simm.s32 @!p1 $0x0  }
0x14: {  	s2 =	sld [smem:$0x3F9D];
	s0 =	simm.s32 @p1 $0x1  }
0x15: {  	[smem:$0x3FBA] =	sst s0;
	s0 =	simm.s32 @!p2 $0x0  }
0x16: {  	s3 =	sld [smem:$0x3FDB];
	s0 =	simm.s32 @p2 $0x1  }
0x17: {  	s4 =	simm.s32 $0x1BF5;
	[smem:$0x3FBC] =	sst s0  }
0x18: {  	s0 =	sld [smem:$0x3F9F];
	_ =	swait.ge [sflag:s4], $0x0  }
0x19: {  	s7 =	sld [smem:$0x3FA0]  }
0x1a: {  	s8 =	sadd.s32 $0xFFFFE003, lr  }
0x1b: {  	s9 =	sadd.s32 $0xFFFFFEF7, lr;
	s5 =	simm.s32 $0xFFFFFFFF;
	p2 =	slt.u32 s8, $0xFFFFF086  }
0x1c: {  	p1 =	slt.u32 s9, $0xF7A;
	s5 =	simm.s32 @!p2 $0x0  }
0x1d: {  	s5 =	simm.s32 @p1 $0x1;
	p0 =	seq.s32 s7, s2  }
0x1e: {  	s7 =	smul.u32 @!p0 $0xF7A, s2;
	p2 =	seq.s32 @!p0 s5, $0x0  }
0x1f: {  	s9 =	smul.u32 $0xF7A, s1;
	s8 =	simm.s32 @!p0 $0x1BF5;
	p2 =	por !p2, p0  }
0x20: {  	[sflag:s8] =	ssyncset.s32 @!p0 $0xFFFFF086;
	s6 =	sadd.s32 @!p0 s3, s7;
	s7 =	simm.s32 @!p0 $0x108  }
0x21: {  	s3 =	sadd.s32 s3, s9;
	s6 =	sadd.s32 @!p0 $0x88, s6;
	s7 =	simm.s32 @p2 $0x1082  }
0x22: {  	[simem:s7], [sflag:s8] =	dma.local @!p0 [hbm:s6], $0xF7A  }
0x23: {  	s9 =	sor.u32 $0xD0000000, s2;
	s6 =	simm.s32 $0x108;
	_ =	swait.ge @!p0 [sflag:s8], $0x0  }
0x24: {  	s3 =	sadd.s32 $0x88, s3;
	s6 =	simm.s32 @!p1 $0x1082;
	[sflag:s4] =	ssyncset.s32 $0xFFFFF086  }
0x25: {  	[simem:s6], [sflag:s4] =	dma.local [hbm:s3], $0xF7A  }
0x26: {  	[smem:$0x3FA0] =	sst s1;
	(tag) =	ssettag s2;
	_ =	strace s9  }
0x27: {  	s1 =	sld [smem:$0x3FB0]  }
0x28: {  	s2 =	sld [smem:$0x3FB1]  }
0x29: {  	s4 =	sld [smem:$0x3FB3]  }
0x2a: {  	p0 =	seq.s32 s5, $0x0;
	s5 =	sld [smem:$0x3FB4]  }
0x2b: {  	s6 =	sld [smem:$0x3FB5]  }
0x2c: {  	s7 =	sld [smem:$0x3FB6]  }
0x2d: {  	s3 =	simm.s32 $0x108;
	s8 =	sld [smem:$0x3FB7]  }
0x2e: {  	s3 =	simm.s32 @!p0 $0x1082;
	s9 =	sld [smem:$0x3FB8]  }
0x2f: {  	lr =	sadd.s32 s0, s3;
	s0 =	sld [smem:$0x3FAF]  }
0x30: {  	s3 =	sld [smem:$0x3FB2]  }
0x31: {  	[smem:$0x3FBB] =	sst s10  }
0x32: {  	s10 =	sld [smem:$0x3FB9];
	_ =	sdelay $0x3  }
0x33: {  	p0 =	seq.s32 s10, $0x1;
	s10 =	sld [smem:$0x3FBB];
	_ =	sdelay $0x3  }
0x34: {  	[smem:$0x3FBB] =	sst s10  }
0x35: {  	s10 =	sld [smem:$0x3FBA];
	_ =	sdelay $0x3  }
0x36: {  	p1 =	seq.s32 s10, $0x1;
	s10 =	sld [smem:$0x3FBB];
	_ =	sdelay $0x3  }
0x37: {  	[smem:$0x3FBB] =	sst s10  }
0x38: {  	s10 =	sld [smem:$0x3FBC]  }
0x39: {  	_ = 	snop;
	(pc) =	sbr.ind lr, $3  }
0x3a: {  	_ = 	snop  }
0x3b: {  	_ = 	snop  }
0x3c: {  	p2 =	seq.s32 s10, $0x1;
	s10 =	sld [smem:$0x3FBB]  }
0x3d: {  	_ =	shalt  }
0x3e: {  	_ =	shalt  }
0x3f: {  	_ =	shalt  }
0x40: {  	_ =	shalt  }
0x41: {  	_ =	shalt  }
0x42: {  	_ =	shalt  }
0x43: {  	_ =	shalt  }
0x44: {  	_ =	shalt  }
0x45: {  	_ =	shalt  }
0x46: {  	_ =	shalt  }
0x47: {  	_ =	shalt  }
0x48: {  	_ =	shalt  }
0x49: {  	_ =	shalt  }
0x4a: {  	_ =	shalt  }
0x4b: {  	_ =	shalt  }
0x4c: {  	_ =	shalt  }
0x4d: {  	_ =	shalt  }
0x4e: {  	_ =	shalt  }
0x4f: {  	_ =	shalt  }
0x50: {  	_ =	shalt  }
0x51: {  	_ =	shalt  }
0x52: {  	_ =	shalt  }
0x53: {  	_ =	shalt  }
0x54: {  	_ =	shalt  }
0x55: {  	_ =	shalt  }
0x56: {  	_ =	shalt  }
0x57: {  	_ =	shalt  }
0x58: {  	_ =	shalt  }
0x59: {  	_ =	shalt  }
0x5a: {  	_ =	shalt  }
0x5b: {  	_ =	shalt  }
0x5c: {  	_ =	shalt  }
0x5d: {  	_ =	shalt  }
0x5e: {  	_ =	shalt  }
0x5f: {  	_ =	shalt  }
0x60: {  	_ =	shalt  }
0x61: {  	_ =	shalt  }
0x62: {  	_ =	shalt  }
0x63: {  	_ =	shalt  }
0x64: {  	_ =	shalt  }
0x65: {  	_ =	shalt  }
0x66: {  	_ =	shalt  }
0x67: {  	_ =	shalt  }
0x68: {  	_ =	shalt  }
0x69: {  	_ =	shalt  }
0x6a: {  	_ =	shalt  }
0x6b: {  	_ =	shalt  }
0x6c: {  	_ =	shalt  }
0x6d: {  	_ =	shalt  }
0x6e: {  	_ =	shalt  }
0x6f: {  	_ =	shalt  }
0x70: {  	_ =	shalt  }
0x71: {  	_ =	shalt  }
0x72: {  	_ =	shalt  }
0x73: {  	_ =	shalt  }
0x74: {  	_ =	shalt  }
0x75: {  	_ =	shalt  }
0x76: {  	_ =	shalt  }
0x77: {  	_ =	shalt  }
0x78: {  	_ =	shalt  }
0x79: {  	_ =	shalt  }
0x7a: {  	_ =	shalt  }
0x7b: {  	_ =	shalt  }
0x7c: {  	_ =	shalt  }
0x7d: {  	_ =	shalt  }
0x7e: {  	_ =	shalt  }
0x7f: {  	_ =	shalt  }
0x80: {  	_ =	shalt  }
0x81: {  	_ =	shalt  }
0x82: {  	_ =	shalt  }
0x83: {  	_ =	shalt  }
0x84: {  	_ =	shalt  }
0x85: {  	_ =	shalt  }
0x86: {  	_ =	shalt  }
0x87: {  	_ =	shalt  }
.Lfunc_end0:
.L_simem_size_0:
called_computation_lowered:
.L_overlay_start_0:
0x88: {  	s2 =	sld [smem:$0x3FD9]  }
0x89: {  	s3 =	sld [smem:$0x3FFE];
	_ =	sdelay $0x1  }
0x8a: {  	s1 =	srdreg.scid  }
0x8b: {  	s0 =	sand.u32 $0x1, s1  }
0x8c: {  	s14 =	sshll.u32 s0, $0xA;
	s2 =	sadd.s32 s3, s2  }
0x8d: {  	s2 =	sadd.s32 s2, s14  }
0x8e: {  	[smem:$0x3FC7] =	sst s2  }
0x8f: {  	_ = 	snop  }
0x90: {  	s2 =	sld [smem:$0x3FD0];
	_ =	sdelay $0x2  }
0x91: {  	s4 =	simm.s32 $0xA;
	s5 =	simm.s32 $0x10;
	s15 =	sld [smem:$0x3FC9]  }
0x92: {  	[smem:s5], [sflag:s4] =	dma.local [hbm:s2], $0x1  }
0x93: {  	_ =	swait.eq [sflag:s4], $0x1  }
0x94: {  	[sflag:s4] =	ssyncset.done $0x0  }
0x95: {  	[sflag:s4] =	ssyncadd.s32 $0xFFFFFFFF  }
0x96: {  	s16 =	sld [smem:$0x10];
	(tm) =	ssettm $0x1  }
0x97: {  	s17 =	sld [smem:$0x3FFB];
	_ =	sdelay $0x3  }
0x98: {  	_ =	strace s17  }
0x99: {  	s4 =	sld [smem:$0x3FFC];
	_ =	sdelay $0x3  }
0x9a: {  	_ =	strace s4  }
0x9b: {  	s4 =	sld [smem:$0x3FFD];
	_ =	sdelay $0x3  }
0x9c: {  	_ =	strace s4  }
0x9d: {  	_ =	strace $0x8FFFFFFF  }
0x9e: {  	s18 =	sld [smem:$0x3FDB];
	_ =	sdelay $0x1  }
0x9f: {  	s19 =	simm.s32 $_scs_section_size  }
0xa0: {  	s6 =	simm.s32 $_size__tile_overlayer_lowered;
	s7 =	simm.s32 $_tile_overlayer_lowered  }
0xa1: {  	s22 =	simm.s32 $0x1BFF;
	s21 =	sshll.u32 s7, $0x1;
	s4 =	sadd.s32 s19, s18  }
0xa2: {  	s8 =	simm.s32 $0x0;
	s20 =	sshll.u32 s6, $0x1;
	s6 =	sadd.s32 s21, s4  }
0xa3: {  	[timem:s8], [sflag:s22] =	dma.local [hbm:s6], s20  }
0xa4: {  	_ =	swait.ge [sflag:s22], s20  }
0xa5: {  	s5 =	ssub.s32 $0x0, s20;
	[sflag:s22] =	ssyncset.done $0x0  }
0xa6: {  	[sflag:s22] =	ssyncadd.s32 s5;
	_ =	sdelay $0x1  }
0xa7: {  	s23 =	simm.s32 $0x1B8B  }
0xa8: {  	_ =	swait.ge [sflag:s23], $0x1  }
0xa9: {  	[sflag:s23] =	ssyncset.done $0x0  }
0xaa: {  	s25 =	simm.s32 $0x1B8E;
	s24 =	sld [smem:$0x3FFE];
	[sflag:s23] =	ssyncadd.s32 $0xFFFFFFFF  }
0xab: {  	s26 =	simm.s32 $execute0_lowered;
	[smem:$0x3FD2] =	sst s25  }
0xac: {  	s6 =	sshll.u32 s26, $0x1;
	_ =	strace $0x80000046;
	[dreg:$0x1] =	wrdreg $0xFFFFFFFF  }
0xad: {  	s28 =	simm.s32 $_size_execute0_lowered;
	s4 =	sadd.s32 s4, s6;
	[dreg:$0x0] =	wrdreg $0x0  }
0xae: {  	s6 =	sshll.u32 s28, $0x1;
	[dreg:$0x2] =	wrdreg s4  }
0xaf: {  	[dreg:$0x3] =	wrdreg s6  }
0xb0: {  	[dreg:$0x4] =	wrdreg $0xC0  }
0xb1: {  	_ =	task [dreg:s8], $0x5FFFF  }
0xb2: {  	[dreg:$0x1] =	wrdreg $0xFFFFFFFF  }
0xb3: {  	[dreg:$0x0] =	wrdreg $0x60  }
0xb4: {  	[dreg:$0x2] =	wrdreg s15  }
0xb5: {  	[dreg:$0x3] =	wrdreg s24  }
0xb6: {  	[dreg:$0x4] =	wrdreg s16  }
0xb7: {  	[dreg:$0x5] =	wrdreg $0x9  }
0xb8: {  	_ =	task.clear_ibuf [dreg:s8], $0x6FFFF;
	_ =	strace $0x90000046  }
0xb9: {  	s29 =	simm.s32 $0x9;
	_ =	strace $0x80000048  }
0xba: {  	_ =	swait.ge [sflag:s29], $0x1  }
0xbb: {  	[sflag:s29] =	ssyncadd.s32 $0xFFFFFFFF  }
0xbc: {  	_ =	strace $0x90000048  }
0xbd: {  	_ =	sfence  }
0xbe: {  	s30 =	sld [smem:$0x0];
	_ =	sdelay $0x2  }
0xbf: {  	s31 =	sshll.u32 s1, $0xD;
	s1 =	sshrl.u32 s1, $0x2  }
0xc0: {  	s3 =	sand.u32 $0x4000, s31;
	s1 =	sadd.s32 s1, s30  }
0xc1: {  	s0 =	sor.u32 s3, s0;
	s1 =	sshll.u32 s1, $0x11  }
0xc2: {  	s0 =	sor.u32 s1, s0  }
0xc3: {  	s0 =	sadd.s32 $0x8F2B, s0  }
0xc4: {  	[sflag:s0] =	ssyncadd.remote.s32 $0x1  }
0xc5: {  	_ =	sfence.sel $0xFFFF  }
0xc6: {  	[dreg:$0x0] =	wrdreg $0xFFFFFFFF;
	(pc) =	sbr.abs _section_cstart, $3  }
0xc7: {  	[dreg:$0x1] =	wrdreg $0xFFFFFFFF  }
0xc8: {  	_ =	task.clear_ibuf [dreg:s8], $0x2FFFF;
	_ =	strace $0x9FFFFFFF  }
0xc9: {  	(tm) =	ssettm $0x7FFFFFFF  }
tec
execute0_lowered:
.L_overlay_start_1:
0x0: {  	(tag) =	ssettag $0x1  }
0x1: {  	s1 =	srdreg.scid;
	s0 =	stileid.u32  }
0x2: {  	s1 =	sand.u32 $0x1, s1;
	s2 =	sshll.u32 s0, $0x1  }
0x3: {  	s2 =	sor.u32 s1, s2  }
0x4: {  	s3 =	smul.u32 $0x60, s2;
	s4 =	smin.u32 s2, $0x8  }
0x5: {  	s5 =	rddreg [dreg:$0x1];
	s4 =	sshll.u32 s4, $0x3  }
0x6: {  	s10 =	rddreg [dreg:$0x2];
	s3 =	sadd.s32 s3, s4  }
0x7: {  	s2 =	rddreg [dreg:$0x0];
	s6 =	smin.u32 s3, $0xBD8;
	s3 =	simm.s32 $0x0  }
0x8: {  	s11 =	simm.s32 $0x880;
	[smem:$0x7FF] =	sst s3  }
0x9: {  	s12 =	simm.s32 $0x1080;
	_ =	strace $0x80000047;
	[dreg:$0x6] =	wrdreg s11  }
0xa: {  	s13 =	simm.s32 $0x1880;
	[dreg:$0x7] =	wrdreg s12  }
0xb: {  	s14 =	simm.s32 $0x2080;
	[dreg:$0x8] =	wrdreg s13  }
0xc: {  	s15 =	simm.s32 $0x2880;
	[dreg:$0x9] =	wrdreg s14  }
0xd: {  	s16 =	simm.s32 $0x3080;
	s17 =	simm.s32 $0x3880;
	[dreg:$0xa] =	wrdreg s15  }
0xe: {  	s18 =	simm.s32 $0x4080;
	s19 =	simm.s32 $0x4880;
	[dreg:$0xb] =	wrdreg s16  }
0xf: {  	s21 =	simm.s32 $0x5080;
	s22 =	simm.s32 $0x5880;
	[dreg:$0xc] =	wrdreg s17  }
0x10: {  	s23 =	simm.s32 $0x6080;
	s7 =	simm.s32 $0x6880;
	[dreg:$0xd] =	wrdreg s18  }
0x11: {  	s24 =	simm.s32 $0x7080;
	s25 =	simm.s32 $0x7880;
	[dreg:$0xe] =	wrdreg s19  }
0x12: {  	s8 =	simm.s32 $0x80;
	s26 =	simm.s32 $0x8080;
	[dreg:$0xf] =	wrdreg s21  }
0x13: {  	s28 =	simm.s32 $0x11880;
	s29 =	simm.s32 $0x12080;
	[dreg:$0x10] =	wrdreg s22  }
0x14: {  	s30 =	simm.s32 $0x12880;
	s1 =	ssub.s32 $0x2, s1;
	[dreg:$0x11] =	wrdreg s23  }
0x15: {  	s31 =	simm.s32 $0x13080;
	s20 =	sshrl.u32 s1, $0x1;
	[dreg:$0x12] =	wrdreg s7  }
0x16: {  	s1 =	ssub.s32 s1, s20;
	s6 =	sshrl.u32 s6, $0x3;
	[dreg:$0x13] =	wrdreg s24  }
0x17: {  	s20 =	simm.s32 $0xE080;
	s5 =	sadd.s32 s6, s5;
	[dreg:$0x14] =	wrdreg s25  }
0x18: {  	s6 =	smul.u32 $0x300, s6;
	s7 =	simm.s32 $0x2;
	[dreg:$0x15] =	wrdreg s26  }
0x19: {  	s11 =	simm.s32 $0x9880;
	s12 =	simm.s32 $0xA080;
	s13 =	simm.s32 $0xA880  }
0x1a: {  	s14 =	simm.s32 $0xB080;
	s15 =	simm.s32 $0xB880;
	s16 =	simm.s32 $0xC080  }
0x1b: {  	s17 =	simm.s32 $0xC880;
	s18 =	simm.s32 $0xD080;
	s19 =	simm.s32 $0xD880  }
0x1c: {  	s21 =	simm.s32 $0xE880;
	s22 =	simm.s32 $0xF080;
	s23 =	simm.s32 $0xF880  }
0x1d: {  	s24 =	simm.s32 $0x10080;
	s25 =	simm.s32 $0x10880;
	s5 =	sadd.s32 $0xA00, s5  }
0x1e: {  	v2 =	vlaneseq.u32;
	s26 =	simm.s32 $0x11080;
	[dreg:$0x4] =	wrdreg s5;
	s4 =	sadd.s32 s10, s6  }
0x1f: {  	vm0 =	vmmov $0xffff;
	v1 =	vshrl.u32 v2, $0x3;
	s5 =	sadd.s32 $0x200, s2;
	s6 =	smax.u32 s1, $0x1;
	s10 =	simm.s32 $0x9080  }
0x20: {  	v0 =	vand.u32 $0x7, v2;
	v2 =	vor.u32 $0x8, v2;
	v1 =	vmul.u32 $0x8, v1;
	s1 =	simm.s32 $0x1;
	[dreg:$0x5] =	wrdreg s4;
	s4 =	sadd.s32 $0x100, s2  }
.LBB2_1:
0x21: {  	s0 =	rddreg [dreg:$0x4]  }
0x22: {  	[tilespmem:s3], [sflag:$0x2] =	stream.linear.gather [hbm4b:s0+s3], $0x68, $0x38;
	[tilespmem:$0x13880] =	vst v63  }
0x23: {  	_ =	swait.ge [sflag:s7], $0x68  }
0x24: {  	[sflag:s7] =	ssyncset.done $0x0  }
0x25: {  	[sflag:s7] =	ssyncadd.s32 $0xFFFFFF98  }
0x26: {  	v3 =	vld [tilespmem:$0x0];
	_ =	sdelay $0x4  }
0x27: {  	v4 =	vshrl.u32 v3, $0x3  }
0x28: {  	v4 =	vmul.u32 $0x30, v4  }
0x29: {  	v3 =	vand.u32 $0x7, v3  }
0x2a: {  	v3 =	vor.u32 v3, v4  }
0x2b: {  	v4 =	vperm.xlane v3, v0;
	_ =	sdelay $0x1  }
0x2c: {  	v4 =	vadd.s32 v1, v4;
	_ =	sdelay $0x3  }
0x2d: {  	v3 =	vperm.xlane v3, v2  }
0x2e: {  	[tilespmem:s8], [sflag:$0x1] =	stream.indirect_vreg.gather [hbm4b:s2+s3], $0x80, v4, vm0, $0xb8;
	[tilespmem:$0x13880] =	vst v63  }
0x2f: {  	s0 =	rddreg [dreg:$0x6];
	v3 =	vadd.s32 v1, v3  }
0x30: {  	[tilespmem:s0], [sflag:$0x1] =	stream.indirect_vreg.gather [hbm4b:s4+s3], $0x80, v4, vm0, $0xb8;
	[tilespmem:$0x13880] =	vst v63  }
0x31: {  	s9 =	rddreg [dreg:$0x7]  }
0x32: {  	[tilespmem:s9], [sflag:$0x1] =	stream.indirect_vreg.gather [hbm4b:s5+s3], $0x80, v4, vm0, $0xb8;
	[tilespmem:$0x13880] =	vst v63  }
0x33: {  	s0 =	rddreg [dreg:$0x8]  }
0x34: {  	[tilespmem:s0], [sflag:$0x1] =	stream.indirect_vreg.gather [hbm4b:s2+s3], $0x80, v3, vm0, $0xb8;
	[tilespmem:$0x13880] =	vst v63  }
0x35: {  	s9 =	rddreg [dreg:$0x9]  }
0x36: {  	[tilespmem:s9], [sflag:$0x1] =	stream.indirect_vreg.gather [hbm4b:s4+s3], $0x80, v3, vm0, $0xb8;
	[tilespmem:$0x13880] =	vst v63  }
0x37: {  	s0 =	rddreg [dreg:$0xa]  }
0x38: {  	[tilespmem:s0], [sflag:$0x1] =	stream.indirect_vreg.gather [hbm4b:s5+s3], $0x80, v3, vm0, $0xb8;
	[tilespmem:$0x13880] =	vst v63  }
0x39: {  	v3 =	vld [tilespmem:$0x10];
	_ =	sdelay $0x4  }
0x3a: {  	v58 =	vshrl.u32 v3, $0x3  }
0x3b: {  	v4 =	vmul.u32 $0x30, v58  }
0x3c: {  	v3 =	vand.u32 $0x7, v3  }
0x3d: {  	v3 =	vor.u32 v3, v4  }
0x3e: {  	v4 =	vperm.xlane v3, v0;
	_ =	sdelay $0x1  }
0x3f: {  	v4 =	vadd.s32 v1, v4;
	_ =	sdelay $0x3  }
0x40: {  	s0 =	rddreg [dreg:$0xb];
	v3 =	vperm.xlane v3, v2  }
0x41: {  	[tilespmem:s0], [sflag:$0x1] =	stream.indirect_vreg.gather [hbm4b:s2+s3], $0x80, v4, vm0, $0xb8;
	[tilespmem:$0x13880] =	vst v63  }
0x42: {  	s9 =	rddreg [dreg:$0xc];
	v3 =	vadd.s32 v1, v3  }
0x43: {  	[tilespmem:s9], [sflag:$0x1] =	stream.indirect_vreg.gather [hbm4b:s4+s3], $0x80, v4, vm0, $0xb8;
	[tilespmem:$0x13880] =	vst v63  }
0x44: {  	s0 =	rddreg [dreg:$0xd]  }
0x45: {  	[tilespmem:s0], [sflag:$0x1] =	stream.indirect_vreg.gather [hbm4b:s5+s3], $0x80, v4, vm0, $0xb8;
	[tilespmem:$0x13880] =	vst v63  }
0x46: {  	s9 =	rddreg [dreg:$0xe]  }
0x47: {  	[tilespmem:s9], [sflag:$0x1] =	stream.indirect_vreg.gather [hbm4b:s2+s3], $0x80, v3, vm0, $0xb8;
	[tilespmem:$0x13880] =	vst v63  }
0x48: {  	s0 =	rddreg [dreg:$0xf]  }
0x49: {  	[tilespmem:s0], [sflag:$0x1] =	stream.indirect_vreg.gather [hbm4b:s4+s3], $0x80, v3, vm0, $0xb8;
	[tilespmem:$0x13880] =	vst v63  }
0x4a: {  	s9 =	rddreg [dreg:$0x10]  }
0x4b: {  	[tilespmem:s9], [sflag:$0x1] =	stream.indirect_vreg.gather [hbm4b:s5+s3], $0x80, v3, vm0, $0xb8;
	[tilespmem:$0x13880] =	vst v63  }
0x4c: {  	v3 =	vld [tilespmem:$0x20];
	_ =	sdelay $0x4  }
0x4d: {  	v59 =	vshrl.u32 v3, $0x3  }
0x4e: {  	v4 =	vmul.u32 $0x30, v59  }
0x4f: {  	v3 =	vand.u32 $0x7, v3  }
0x50: {  	v3 =	vor.u32 v3, v4  }
0x51: {  	v4 =	vperm.xlane v3, v0;
	_ =	sdelay $0x1  }
0x52: {  	v4 =	vadd.s32 v1, v4;
	_ =	sdelay $0x3  }
0x53: {  	s0 =	rddreg [dreg:$0x11];
	v3 =	vperm.xlane v3, v2  }
0x54: {  	[tilespmem:s0], [sflag:$0x1] =	stream.indirect_vreg.gather [hbm4b:s2+s3], $0x80, v4, vm0, $0xb8;
	[tilespmem:$0x13880] =	vst v63  }
0x55: {  	s9 =	rddreg [dreg:$0x12];
	v3 =	vadd.s32 v1, v3  }
0x56: {  	[tilespmem:s9], [sflag:$0x1] =	stream.indirect_vreg.gather [hbm4b:s4+s3], $0x80, v4, vm0, $0xb8;
	[tilespmem:$0x13880] =	vst v63  }
0x57: {  	s0 =	rddreg [dreg:$0x13]  }
0x58: {  	[tilespmem:s0], [sflag:$0x1] =	stream.indirect_vreg.gather [hbm4b:s5+s3], $0x80, v4, vm0, $0xb8;
	[tilespmem:$0x13880] =	vst v63  }
0x59: {  	s9 =	rddreg [dreg:$0x14]  }
0x5a: {  	[tilespmem:s9], [sflag:$0x1] =	stream.indirect_vreg.gather [hbm4b:s2+s3], $0x80, v3, vm0, $0xb8;
	[tilespmem:$0x13880] =	vst v63  }
0x5b: {  	s0 =	rddreg [dreg:$0x15]  }
0x5c: {  	[tilespmem:s0], [sflag:$0x1] =	stream.indirect_vreg.gather [hbm4b:s4+s3], $0x80, v3, vm0, $0xb8;
	[tilespmem:$0x13880] =	vst v63  }
0x5d: {  	s9 =	simm.s32 $0x8880  }
0x5e: {  	[tilespmem:s9], [sflag:$0x1] =	stream.indirect_vreg.gather [hbm4b:s5+s3], $0x80, v3, vm0, $0xb8;
	[tilespmem:$0x13880] =	vst v63  }
0x5f: {  	v3 =	vld [tilespmem:$0x30];
	_ =	sdelay $0x4  }
0x60: {  	v60 =	vshrl.u32 v3, $0x3  }
0x61: {  	v4 =	vmul.u32 $0x30, v60  }
0x62: {  	v3 =	vand.u32 $0x7, v3  }
0x63: {  	v3 =	vor.u32 v3, v4  }
0x64: {  	v4 =	vperm.xlane v3, v0;
	_ =	sdelay $0x1  }
0x65: {  	v4 =	vadd.s32 v1, v4;
	_ =	sdelay $0x3  }
0x66: {  	v3 =	vperm.xlane v3, v2  }
0x67: {  	[tilespmem:s10], [sflag:$0x1] =	stream.indirect_vreg.gather [hbm4b:s2+s3], $0x80, v4, vm0, $0xb8;
	[tilespmem:$0x13880] =	vst v63  }
0x68: {  	v3 =	vadd.s32 v1, v3  }
0x69: {  	[tilespmem:s11], [sflag:$0x1] =	stream.indirect_vreg.gather [hbm4b:s4+s3], $0x80, v4, vm0, $0xb8;
	[tilespmem:$0x13880] =	vst v63  }
0x6a: {  	_ = 	snop  }
0x6b: {  	[tilespmem:s12], [sflag:$0x1] =	stream.indirect_vreg.gather [hbm4b:s5+s3], $0x80, v4, vm0, $0xb8;
	[tilespmem:$0x13880] =	vst v63  }
0x6c: {  	_ = 	snop  }
0x6d: {  	[tilespmem:s13], [sflag:$0x1] =	stream.indirect_vreg.gather [hbm4b:s2+s3], $0x80, v3, vm0, $0xb8;
	[tilespmem:$0x13880] =	vst v63  }
0x6e: {  	_ = 	snop  }
0x6f: {  	[tilespmem:s14], [sflag:$0x1] =	stream.indirect_vreg.gather [hbm4b:s4+s3], $0x80, v3, vm0, $0xb8;
	[tilespmem:$0x13880] =	vst v63  }
0x70: {  	_ = 	snop  }
0x71: {  	[tilespmem:s15], [sflag:$0x1] =	stream.indirect_vreg.gather [hbm4b:s5+s3], $0x80, v3, vm0, $0xb8;
	[tilespmem:$0x13880] =	vst v63  }
0x72: {  	v3 =	vld [tilespmem:$0x40];
	_ =	sdelay $0x4  }
0x73: {  	v61 =	vshrl.u32 v3, $0x3  }
0x74: {  	v4 =	vmul.u32 $0x30, v61  }
0x75: {  	v3 =	vand.u32 $0x7, v3  }
0x76: {  	v3 =	vor.u32 v3, v4  }
0x77: {  	v4 =	vperm.xlane v3, v0;
	_ =	sdelay $0x1  }
0x78: {  	v4 =	vadd.s32 v1, v4;
	_ =	sdelay $0x3  }
0x79: {  	v3 =	vperm.xlane v3, v2  }
0x7a: {  	[tilespmem:s16], [sflag:$0x1] =	stream.indirect_vreg.gather [hbm4b:s2+s3], $0x80, v4, vm0, $0xb8;
	[tilespmem:$0x13880] =	vst v63  }
0x7b: {  	v3 =	vadd.s32 v1, v3  }
0x7c: {  	[tilespmem:s17], [sflag:$0x1] =	stream.indirect_vreg.gather [hbm4b:s4+s3], $0x80, v4, vm0, $0xb8;
	[tilespmem:$0x13880] =	vst v63  }
0x7d: {  	_ = 	snop  }
0x7e: {  	[tilespmem:s18], [sflag:$0x1] =	stream.indirect_vreg.gather [hbm4b:s5+s3], $0x80, v4, vm0, $0xb8;
	[tilespmem:$0x13880] =	vst v63  }
0x7f: {  	_ = 	snop  }
0x80: {  	[tilespmem:s19], [sflag:$0x1] =	stream.indirect_vreg.gather [hbm4b:s2+s3], $0x80, v3, vm0, $0xb8;
	[tilespmem:$0x13880] =	vst v63  }
0x81: {  	_ = 	snop  }
0x82: {  	[tilespmem:s20], [sflag:$0x1] =	stream.indirect_vreg.gather [hbm4b:s4+s3], $0x80, v3, vm0, $0xb8;
	[tilespmem:$0x13880] =	vst v63  }
0x83: {  	_ = 	snop  }
0x84: {  	[tilespmem:s21], [sflag:$0x1] =	stream.indirect_vreg.gather [hbm4b:s5+s3], $0x80, v3, vm0, $0xb8;
	[tilespmem:$0x13880] =	vst v63  }
0x85: {  	v3 =	vld [tilespmem:$0x50];
	_ =	sdelay $0x4  }
0x86: {  	v62 =	vshrl.u32 v3, $0x3  }
0x87: {  	v4 =	vmul.u32 $0x30, v62  }
0x88: {  	v3 =	vand.u32 $0x7, v3  }
0x89: {  	v3 =	vor.u32 v3, v4  }
0x8a: {  	v4 =	vperm.xlane v3, v0;
	_ =	sdelay $0x1  }
0x8b: {  	v4 =	vadd.s32 v1, v4;
	_ =	sdelay $0x3  }
0x8c: {  	v3 =	vperm.xlane v3, v2  }
0x8d: {  	[tilespmem:s22], [sflag:$0x1] =	stream.indirect_vreg.gather [hbm4b:s2+s3], $0x80, v4, vm0, $0xb8;
	[tilespmem:$0x13880] =	vst v63  }
0x8e: {  	v3 =	vadd.s32 v1, v3  }
0x8f: {  	[tilespmem:s23], [sflag:$0x1] =	stream.indirect_vreg.gather [hbm4b:s4+s3], $0x80, v4, vm0, $0xb8;
	[tilespmem:$0x13880] =	vst v63  }
0x90: {  	_ = 	snop  }
0x91: {  	[tilespmem:s24], [sflag:$0x1] =	stream.indirect_vreg.gather [hbm4b:s5+s3], $0x80, v4, vm0, $0xb8;
	[tilespmem:$0x13880] =	vst v63  }
0x92: {  	_ = 	snop  }
0x93: {  	[tilespmem:s25], [sflag:$0x1] =	stream.indirect_vreg.gather [hbm4b:s2+s3], $0x80, v3, vm0, $0xb8;
	[tilespmem:$0x13880] =	vst v63  }
0x94: {  	_ = 	snop  }
0x95: {  	[tilespmem:s26], [sflag:$0x1] =	stream.indirect_vreg.gather [hbm4b:s4+s3], $0x80, v3, vm0, $0xb8;
	[tilespmem:$0x13880] =	vst v63  }
0x96: {  	_ = 	snop  }
0x97: {  	[tilespmem:s28], [sflag:$0x1] =	stream.indirect_vreg.gather [hbm4b:s5+s3], $0x80, v3, vm0, $0xb8;
	[tilespmem:$0x13880] =	vst v63  }
0x98: {  	v3 =	vld.msk [tilespmem:$0x60], $0xff;
	_ =	sdelay $0x4  }
0x99: {  	v63 =	vshrl.u32 v3, $0x3  }
0x9a: {  	v4 =	vmul.u32 $0x30, v63  }
0x9b: {  	v3 =	vand.u32 $0x7, v3  }
0x9c: {  	v3 =	vor.u32 v3, v4  }
0x9d: {  	v3 =	vperm.xlane v3, v0;
	_ =	sdelay $0x1  }
0x9e: {  	v3 =	vadd.s32 v1, v3;
	_ =	sdelay $0x4  }
0x9f: {  	[tilespmem:s29], [sflag:$0x1] =	stream.indirect_vreg.gather [hbm4b:s2+s3], $0x80, v3, vm0, $0xb8;
	[tilespmem:$0x13880] =	vst v63  }
0xa0: {  	_ = 	snop  }
0xa1: {  	[tilespmem:s30], [sflag:$0x1] =	stream.indirect_vreg.gather [hbm4b:s4+s3], $0x80, v3, vm0, $0xb8;
	[tilespmem:$0x13880] =	vst v63  }
0xa2: {  	_ = 	snop  }
0xa3: {  	[tilespmem:s31], [sflag:$0x1] =	stream.indirect_vreg.gather [hbm4b:s5+s3], $0x80, v3, vm0, $0xb8;
	[tilespmem:$0x13880] =	vst v63  }
0xa4: {  	_ =	swait.ge [sflag:s1], $0x13800  }
0xa5: {  	p0 =	sne.s32 s6, $0x1;
	[sflag:s1] =	ssyncset.done $0x0  }
.Ltmp0:
0xa6: {  	s9 =	rddreg [dreg:$0x5];
	[sflag:s1] =	ssyncadd.s32 $0xFFFEC800;
	(pc) =	sbr.rel @p0 .LBB2_1-.Ltmp0, $4  }
0xa7: {  	[hbm4b:s9+s3] =	stream.linear.scatter [tilespmem:s8], [sflag:$0x2], $0x13800, $0x38;
	[tilespmem:$0x13880] =	vst v63  }
0xa8: {  	_ =	swait.ge [sflag:s7], $0x13800  }
0xa9: {  	[sflag:s7] =	ssyncset.done $0x0  }
0xaa: {  	s6 =	sadd.s32 $0xFFFFFFFF, s6;
	[sflag:s7] =	ssyncadd.s32 $0xFFFEC800  }
0xab: {  	_ =	sfence.sel $0x180000  }
0xac: {  	[bflag:$0x0] =	sbarrier.arrive $0xFFFF  }
0xad: {  	_ =	strace $0x90000047  }
0xae: {  	s0 =	stileid.u32;
	[bflag:$0x2] =	sbarrier.arrive $0xFFFF  }
0xaf: {  	p0 =	sne.s32 s0, $0x0;
	s0 =	rddreg [dreg:$0x3]  }
0xb0: {  	s0 =	sadd.s32 @!p0 $0x100000, s0  }
0xb1: {  	[sflag:s0] =	ssyncadd.tile.s32 @!p0 $0x1;
	_ =	shalt  }
.Lfunc_end2:
_tile_overlayer_lowered:
.L_overlay_start_2:
0xb2: {  	(tag) =	ssettag $0x2  }
0xb3: {  	s0 =	rddreg [dreg:$0x0];
	s2 =	stileid.u32  }
0xb4: {  	s1 =	rddreg [dreg:$0x1];
	p0 =	sne.s32 s2, $0x0  }
0xb5: {  	s3 =	rddreg [dreg:$0x2];
	[bflag:$0x3] =	sbarrier.arrive $0xFFFF;
	s2 =	simm.s32 @!p0 $0x1C02  }
0xb6: {  	[timem:s3], [sflag:s2] =	dma.local @!p0 [hbm:s0], s1  }
0xb7: {  	s0 =	simm.s32 @!p0 $0x2  }
0xb8: {  	_ =	swait.ge @!p0 [sflag:s0], s1  }
0xb9: {  	s1 =	ssub.s32 @!p0 $0x0, s1;
	[sflag:s0] =	ssyncset.done @!p0 $0x0  }
0xba: {  	[sflag:s0] =	ssyncadd.s32 @!p0 s1  }
0xbb: {  	[bflag:$0x3] =	sbarrier.arrive $0xFFFF  }
0xbc: {  	_ =	shalt  }

</sc_bundles>
